<compile_context>
chip_gen: v7x
topology: tpu7x:2x2x1
jax: 0.10.2.dev20260603
libtpu: 0.0.44.dev20260713+nightly
codegen_flags: <defaults>
</compile_context>

<pallas_src>
import numpy as np
import jax
import jax.numpy as jnp
from jax import lax
from jax.experimental import pallas as pl
from jax.experimental.pallas import tpu as pltpu

_FEAT_STRIDE = 16
_PRE_NMS = 12000
_POST_NMS = 2000
_NMS_THRESH = 0.7
_SUB = 8
_LANE = _PRE_NMS // _SUB


def _base_anchors():
    base = np.array([1.0, 1.0, 16.0, 16.0]) - 1
    w = base[2] - base[0] + 1.0
    h = base[3] - base[1] + 1.0
    xc = base[0] + 0.5 * (w - 1)
    yc = base[1] + 0.5 * (h - 1)
    ratios = np.array([0.5, 1.0, 2.0])
    ws = np.round(np.sqrt(w * h / ratios))
    hs = np.round(ws * ratios)
    rows = []
    scales = np.array([8.0, 16.0, 32.0])
    for i in range(3):
        sw = ws[i] * scales
        sh = hs[i] * scales
        rows.append(
            np.stack(
                [
                    xc - 0.5 * (sw - 1),
                    yc - 0.5 * (sh - 1),
                    xc + 0.5 * (sw - 1),
                    yc + 0.5 * (sh - 1),
                ],
                axis=1,
            )
        )
    return np.concatenate(rows, axis=0).astype(np.float32)


def _grid_anchors(H, W):
    base = _base_anchors()
    sx = (np.arange(W) * _FEAT_STRIDE).astype(np.float32)
    sy = (np.arange(H) * _FEAT_STRIDE).astype(np.float32)
    SX, SY = np.meshgrid(sx, sy)
    shifts = np.stack([SX.ravel(), SY.ravel(), SX.ravel(), SY.ravel()], axis=1)
    return (shifts[:, None, :] + base[None, :, :]).reshape(-1, 4)


def _proposal_nms_kernel(im_ref, a_ref, d_ref, o_ref, s_ref, cnt_ref):
    b = pl.program_id(0)
    h_im = im_ref[b, 0]
    w_im = im_ref[b, 1]
    ax1 = a_ref[0, 0]
    ay1 = a_ref[0, 1]
    ax2 = a_ref[0, 2]
    ay2 = a_ref[0, 3]
    dx = d_ref[0, 0]
    dy = d_ref[0, 1]
    dw = d_ref[0, 2]
    dh = d_ref[0, 3]
    aw = ax2 - ax1 + 1.0
    ah = ay2 - ay1 + 1.0
    cx = ax1 + 0.5 * aw
    cy = ay1 + 0.5 * ah
    pcx = dx * aw + cx
    pcy = dy * ah + cy
    pw = jnp.exp(dw) * aw
    ph = jnp.exp(dh) * ah
    x1 = jnp.clip(pcx - 0.5 * pw, 0.0, w_im - 1.0)
    y1 = jnp.clip(pcy - 0.5 * ph, 0.0, h_im - 1.0)
    x2 = jnp.clip(pcx + 0.5 * pw, 0.0, w_im - 1.0)
    y2 = jnp.clip(pcy + 0.5 * ph, 0.0, h_im - 1.0)
    s_ref[0] = x1
    s_ref[1] = y1
    s_ref[2] = x2
    s_ref[3] = y2
    s_ref[4] = (x2 - x1 + 1.0) * (y2 - y1 + 1.0)
    col = lax.broadcasted_iota(jnp.int32, (_POST_NMS, 5), 1)
    o_ref[0] = jnp.where(col == 0, b.astype(jnp.float32), 0.0)
    cnt_ref[0] = 0
    posf = (
        lax.broadcasted_iota(jnp.int32, (_SUB, _LANE), 0) * _LANE
        + lax.broadcasted_iota(jnp.int32, (_SUB, _LANE), 1)
    ).astype(jnp.float32)
    s_ref[5] = posf
    pre_f = float(_PRE_NMS)

    def cond(st):
        cur, c = st
        return jnp.logical_and(cur < pre_f, c < _POST_NMS)

    def body(st):
        cur, _ = st
        alive = s_ref[5]
        i = jnp.min(jnp.where(alive >= cur, alive, pre_f))

        @pl.when(i < pre_f)
        def _():
            c = cnt_ref[0]
            sel = s_ref[5] == i
            x1i = jnp.sum(jnp.where(sel, s_ref[0], 0.0))
            y1i = jnp.sum(jnp.where(sel, s_ref[1], 0.0))
            x2i = jnp.sum(jnp.where(sel, s_ref[2], 0.0))
            y2i = jnp.sum(jnp.where(sel, s_ref[3], 0.0))
            ai = jnp.sum(jnp.where(sel, s_ref[4], 0.0))
            col5 = lax.broadcasted_iota(jnp.int32, (1, 5), 1)
            row = (
                jnp.where(col5 == 0, b.astype(jnp.float32), 0.0)
                + jnp.where(col5 == 1, x1i, 0.0)
                + jnp.where(col5 == 2, y1i, 0.0)
                + jnp.where(col5 == 3, x2i, 0.0)
                + jnp.where(col5 == 4, y2i, 0.0)
            )
            o_ref[0, pl.ds(c, 1), :] = row
            iw = jnp.maximum(
                0.0, jnp.minimum(x2i, s_ref[2]) - jnp.maximum(x1i, s_ref[0]) + 1.0
            )
            ih = jnp.maximum(
                0.0, jnp.minimum(y2i, s_ref[3]) - jnp.maximum(y1i, s_ref[1]) + 1.0
            )
            inter = iw * ih
            ovr = inter / (ai + s_ref[4] - inter)
            sup = jnp.logical_and(s_ref[5] > i, ovr > _NMS_THRESH)
            s_ref[5] = jnp.where(sup, pre_f, s_ref[5])
            cnt_ref[0] = c + 1

        return i + 1.0, cnt_ref[0]

    lax.while_loop(cond, body, (jnp.float32(0.0), jnp.int32(0)))


def kernel(scores, bbox_deltas, im_info):
    B, C, H, W = scores.shape
    A = C // 2
    sc = jnp.transpose(scores[:, A:], (0, 2, 3, 1)).reshape(B, -1)
    deltas = jnp.transpose(bbox_deltas, (0, 2, 3, 1)).reshape(B, -1, 4)
    anchors = jnp.asarray(_grid_anchors(H, W))
    _, idx = lax.top_k(sc, _PRE_NMS)
    a_s = anchors[idx]
    d_s = jnp.take_along_axis(deltas, idx[:, :, None], axis=1)
    a_s = jnp.transpose(a_s, (0, 2, 1)).reshape(B, 4, _SUB, _LANE)
    d_s = jnp.transpose(d_s, (0, 2, 1)).reshape(B, 4, _SUB, _LANE)
    return pl.pallas_call(
        _proposal_nms_kernel,
        grid=(B,),
        in_specs=[
            pl.BlockSpec((B, 3), lambda b: (0, 0)),
            pl.BlockSpec((1, 4, _SUB, _LANE), lambda b: (b, 0, 0, 0)),
            pl.BlockSpec((1, 4, _SUB, _LANE), lambda b: (b, 0, 0, 0)),
        ],
        out_specs=pl.BlockSpec((1, _POST_NMS, 5), lambda b: (b, 0, 0)),
        out_shape=jax.ShapeDtypeStruct((B, _POST_NMS, 5), jnp.float32),
        scratch_shapes=[
            pltpu.VMEM((6, _SUB, _LANE), jnp.float32),
            pltpu.SMEM((1,), jnp.int32),
        ],
        compiler_params=pltpu.CompilerParams(
            dimension_semantics=("parallel",),
        ),
    )(im_info, a_s, d_s)

# --- scband reference (transcript-rebuilt; emitter-appended) ---
"""Pipeline reference for scband-proposal-layer-9371618639963 (READ-ONLY COPY).

The authoritative reference and input builder live on the scoring server;
editing this copy changes nothing except your own understanding.
"""

import jax, jax.numpy as jnp
import numpy as np

FEAT_STRIDE = 16
PRE_NMS_TOPN = 12000
POST_NMS_TOPN = 2000
NMS_THRESH = 0.7

def _whctrs(a):
    w = a[2] - a[0] + 1.0
    h = a[3] - a[1] + 1.0
    return w, h, a[0] + 0.5 * (w - 1), a[1] + 0.5 * (h - 1)

def _mkanchors(ws, hs, xc, yc):
    ws = np.asarray(ws, dtype=np.float64).reshape(-1, 1)
    hs = np.asarray(hs, dtype=np.float64).reshape(-1, 1)
    return np.hstack((xc - 0.5 * (ws - 1), yc - 0.5 * (hs - 1), xc + 0.5 * (ws - 1), yc + 0.5 * (hs - 1)))

def _ratio_enum(anchor, ratios):
    w, h, xc, yc = _whctrs(anchor)
    size = w * h
    ws = np.round(np.sqrt(size / ratios))
    hs = np.round(ws * ratios)
    return _mkanchors(ws, hs, xc, yc)

def _scale_enum(anchor, scales):
    w, h, xc, yc = _whctrs(anchor)
    return _mkanchors(w * scales, h * scales, xc, yc)

def generate_anchors(base_size=16, ratios=np.array([0.5, 1.0, 2.0]), scales=np.array([8, 16, 32])):
    base = np.array([1.0, 1.0, base_size, base_size]) - 1
    ra = _ratio_enum(base, ratios)
    return np.vstack([_scale_enum(ra[i], scales) for i in range(ra.shape[0])]).astype(np.float32)

def bbox_transform_inv(boxes, deltas):
    widths = boxes[:, :, 2] - boxes[:, :, 0] + 1.0
    heights = boxes[:, :, 3] - boxes[:, :, 1] + 1.0
    ctr_x = boxes[:, :, 0] + 0.5 * widths
    ctr_y = boxes[:, :, 1] + 0.5 * heights
    dx = deltas[:, :, 0]
    dy = deltas[:, :, 1]
    dw = deltas[:, :, 2]
    dh = deltas[:, :, 3]
    pcx = dx * widths + ctr_x
    pcy = dy * heights + ctr_y
    pw = jnp.exp(dw) * widths
    ph = jnp.exp(dh) * heights
    return jnp.stack([pcx - 0.5 * pw, pcy - 0.5 * ph, pcx + 0.5 * pw, pcy + 0.5 * ph], axis=2)

def clip_boxes(boxes, im_info):
    h = im_info[:, 0:1]
    w = im_info[:, 1:2]
    x1 = jnp.clip(boxes[:, :, 0], 0.0, w - 1.0)
    y1 = jnp.clip(boxes[:, :, 1], 0.0, h - 1.0)
    x2 = jnp.clip(boxes[:, :, 2], 0.0, w - 1.0)
    y2 = jnp.clip(boxes[:, :, 3], 0.0, h - 1.0)
    return jnp.stack([x1, y1, x2, y2], axis=2)

def nms_np(dets, thresh, max_keep):
    x1, y1, x2, y2 = dets[:, 0], dets[:, 1], dets[:, 2], dets[:, 3]
    areas = (x2 - x1 + 1.0) * (y2 - y1 + 1.0)
    n = dets.shape[0]
    suppressed = np.zeros(n, dtype=bool)
    keep = []
    for i in range(n):
        if suppressed[i]:
            continue
        keep.append(i)
        if len(keep) >= max_keep:
            break
        xx1 = np.maximum(x1[i], x1[i + 1:])
        yy1 = np.maximum(y1[i], y1[i + 1:])
        xx2 = np.minimum(x2[i], x2[i + 1:])
        yy2 = np.minimum(y2[i], y2[i + 1:])
        w = np.maximum(0.0, xx2 - xx1 + 1.0)
        h = np.maximum(0.0, yy2 - yy1 + 1.0)
        inter = w * h
        ovr = inter / (areas[i] + areas[i + 1:] - inter)
        suppressed[i + 1:] |= ovr > thresh
    return np.asarray(keep, dtype=np.int64)

def nms_jax_fixed(dets, thresh, max_keep):
    x1, y1, x2, y2 = dets[:, 0], dets[:, 1], dets[:, 2], dets[:, 3]
    areas = (x2 - x1 + 1.0) * (y2 - y1 + 1.0)
    n = dets.shape[0]
    idx = jnp.arange(n)

    def body(i, state):
        suppressed, keep, count = state
        can = jnp.logical_and(jnp.logical_not(suppressed[i]), count < max_keep)
        keep = jnp.where(can, keep.at[count].set(i), keep)
        xx1 = jnp.maximum(x1[i], x1)
        yy1 = jnp.maximum(y1[i], y1)
        xx2 = jnp.minimum(x2[i], x2)
        yy2 = jnp.minimum(y2[i], y2)
        w = jnp.maximum(0.0, xx2 - xx1 + 1.0)
        h = jnp.maximum(0.0, yy2 - yy1 + 1.0)
        inter = w * h
        ovr = inter / (areas[i] + areas - inter)
        mask = jnp.logical_and(idx > i, ovr > thresh)
        suppressed = jnp.where(can, jnp.logical_or(suppressed, mask), suppressed)
        count = count + can.astype(jnp.int32)
        return suppressed, keep, count

    suppressed0 = jnp.zeros(n, dtype=bool)
    keep0 = jnp.zeros(max_keep, dtype=jnp.int32)
    _, keep, count = jax.lax.fori_loop(0, n, body, (suppressed0, keep0, jnp.int32(0)))
    return keep, count

def _make_anchors_grid(H, W, A, anchors0):
    shift_x = np.arange(W) * FEAT_STRIDE
    shift_y = np.arange(H) * FEAT_STRIDE
    sx, sy = np.meshgrid(shift_x, shift_y)
    shifts = np.vstack((sx.ravel(), sy.ravel(), sx.ravel(), sy.ravel())).transpose().astype(np.float32)
    K = shifts.shape[0]
    anchors = anchors0[None, :, :] + shifts[:, None, :]
    return anchors.reshape(1, K * A, 4)

def setup_inputs(seed: int = 0):
    key = jax.random.key(seed)
    k1, k2, k3 = jax.random.split(key, 3)
    scores = jax.random.normal(k1, (4, 18, 48, 48), dtype=jnp.float32)
    bbox_deltas = jax.random.normal(k2, (4, 36, 48, 48), dtype=jnp.float32)
    im_info = jax.random.randint(k3, (4, 3), 0, 768).astype(jnp.float32)
    return {"scores": scores, "bbox_deltas": bbox_deltas, "im_info": im_info}

def reference(scores, bbox_deltas, im_info):
    anchors0 = generate_anchors(scales=np.array([8, 16, 32]), ratios=np.array([0.5, 1.0, 2.0]))
    A = anchors0.shape[0]
    sc = scores[:, A:, :, :]
    B = bbox_deltas.shape[0]
    H, W = sc.shape[2], sc.shape[3]
    anchors = jnp.asarray(_make_anchors_grid(H, W, A, anchors0))
    anchors = jnp.broadcast_to(anchors, (B, anchors.shape[1], 4))
    deltas = jnp.transpose(bbox_deltas, (0, 2, 3, 1)).reshape(B, -1, 4)
    sc_flat = jnp.transpose(sc, (0, 2, 3, 1)).reshape(B, -1)
    proposals = bbox_transform_inv(anchors, deltas)
    proposals = clip_boxes(proposals, im_info)
    order = jnp.argsort(-sc_flat, axis=1)
    rows = []
    for i in range(B):
        ord_i = order[i][:PRE_NMS_TOPN]
        props = proposals[i][ord_i]
        scs = sc_flat[i][ord_i]
        dets = jnp.concatenate([props, scs[:, None]], axis=1)
        keep, count = nms_jax_fixed(dets, NMS_THRESH, POST_NMS_TOPN)
        valid = jnp.arange(POST_NMS_TOPN) < count
        props_k = jnp.where(valid[:, None], props[keep], 0.0)
        col0 = jnp.full((POST_NMS_TOPN, 1), float(i), dtype=jnp.float32)
        rows.append(jnp.concatenate([col0, props_k.astype(jnp.float32)], axis=1))
    output = jnp.stack(rows, axis=0)
    return output

if __name__ == "__main__":
    import jax
    _d = setup_inputs()
    print(jax.jit(kernel)(*tuple(_d.values())))

</pallas_src>

<mosaic_0001>
module attributes {stable_mosaic.version = 14 : i64} {
  func.func @_proposal_nms_kernel(%arg0: i32, %arg1: memref<4x3xf32, #tpu.memory_space<vmem>>, %arg2: memref<1x4x8x1500xf32, #tpu.memory_space<vmem>>, %arg3: memref<1x4x8x1500xf32, #tpu.memory_space<vmem>>, %arg4: memref<1x2000x5xf32, #tpu.memory_space<vmem>>, %arg5: memref<6x8x1500xf32, #tpu.memory_space<vmem>>, %arg6: memref<1xi32, #tpu.memory_space<smem>>) attributes {dimension_semantics = [#tpu.dimension_semantics<parallel>], iteration_bounds = array<i64: 4>, scalar_prefetch = 0 : i64, scratch_operands = 2 : i64, tpu.core_type = #tpu.core_type<tc>, window_params = [{pipeline_mode = #tpu.pipeline_mode<synchronous>, transform_indices = @transform_0, window_bounds = array<i64: 4, 3>}, {transform_indices = @transform_1, window_bounds = array<i64: 1, 4, 8, 1500>}, {transform_indices = @transform_2, window_bounds = array<i64: 1, 4, 8, 1500>}, {transform_indices = @transform_3, window_bounds = array<i64: 1, 2000, 5>}]} {
    %get3A = arith.index_cast %arg0 : i32 to index
    %get3A_0 = arith.constant 0 : index
    %get3A_1 = vector.load %arg1[%get3A, %get3A_0] : memref<4x3xf32, #tpu.memory_space<vmem>>, vector<1x1xf32>
    %get3A_2 = vector.extract %get3A_1[0, 0] : f32 from vector<1x1xf32>
    %get3A_3 = arith.index_cast %arg0 : i32 to index
    %get3A_4 = arith.constant 1 : index
    %get3A_5 = vector.load %arg1[%get3A_3, %get3A_4] : memref<4x3xf32, #tpu.memory_space<vmem>>, vector<1x1xf32>
    %get3A_6 = vector.extract %get3A_5[0, 0] : f32 from vector<1x1xf32>
    %get3A_7 = arith.constant 0 : index
    %get3A_8 = arith.constant 0 : index
    %get3A_9 = arith.constant 0 : index
    %get3A_10 = arith.constant 0 : index
    %get3A_11 = vector.load %arg2[%get3A_7, %get3A_8, %get3A_9, %get3A_10] : memref<1x4x8x1500xf32, #tpu.memory_space<vmem>>, vector<1x1x8x1500xf32>
    %get3A_12 = vector.shape_cast %get3A_11 : vector<1x1x8x1500xf32> to vector<8x1500xf32>
    %get3A_13 = arith.constant 0 : index
    %get3A_14 = arith.constant 1 : index
    %get3A_15 = arith.constant 0 : index
    %get3A_16 = arith.constant 0 : index
    %get3A_17 = vector.load %arg2[%get3A_13, %get3A_14, %get3A_15, %get3A_16] : memref<1x4x8x1500xf32, #tpu.memory_space<vmem>>, vector<1x1x8x1500xf32>
    %get3A_18 = vector.shape_cast %get3A_17 : vector<1x1x8x1500xf32> to vector<8x1500xf32>
    %get3A_19 = arith.constant 0 : index
    %get3A_20 = arith.constant 2 : index
    %get3A_21 = arith.constant 0 : index
    %get3A_22 = arith.constant 0 : index
    %get3A_23 = vector.load %arg2[%get3A_19, %get3A_20, %get3A_21, %get3A_22] : memref<1x4x8x1500xf32, #tpu.memory_space<vmem>>, vector<1x1x8x1500xf32>
    %get3A_24 = vector.shape_cast %get3A_23 : vector<1x1x8x1500xf32> to vector<8x1500xf32>
    %get3A_25 = arith.constant 0 : index
    %get3A_26 = arith.constant 3 : index
    %get3A_27 = arith.constant 0 : index
    %get3A_28 = arith.constant 0 : index
    %get3A_29 = vector.load %arg2[%get3A_25, %get3A_26, %get3A_27, %get3A_28] : memref<1x4x8x1500xf32, #tpu.memory_space<vmem>>, vector<1x1x8x1500xf32>
    %get3A_30 = vector.shape_cast %get3A_29 : vector<1x1x8x1500xf32> to vector<8x1500xf32>
    %get3A_31 = arith.constant 0 : index
    %get3A_32 = arith.constant 0 : index
    %get3A_33 = arith.constant 0 : index
    %get3A_34 = arith.constant 0 : index
    %get3A_35 = vector.load %arg3[%get3A_31, %get3A_32, %get3A_33, %get3A_34] : memref<1x4x8x1500xf32, #tpu.memory_space<vmem>>, vector<1x1x8x1500xf32>
    %get3A_36 = vector.shape_cast %get3A_35 : vector<1x1x8x1500xf32> to vector<8x1500xf32>
    %get3A_37 = arith.constant 0 : index
    %get3A_38 = arith.constant 1 : index
    %get3A_39 = arith.constant 0 : index
    %get3A_40 = arith.constant 0 : index
    %get3A_41 = vector.load %arg3[%get3A_37, %get3A_38, %get3A_39, %get3A_40] : memref<1x4x8x1500xf32, #tpu.memory_space<vmem>>, vector<1x1x8x1500xf32>
    %get3A_42 = vector.shape_cast %get3A_41 : vector<1x1x8x1500xf32> to vector<8x1500xf32>
    %get3A_43 = arith.constant 0 : index
    %get3A_44 = arith.constant 2 : index
    %get3A_45 = arith.constant 0 : index
    %get3A_46 = arith.constant 0 : index
    %get3A_47 = vector.load %arg3[%get3A_43, %get3A_44, %get3A_45, %get3A_46] : memref<1x4x8x1500xf32, #tpu.memory_space<vmem>>, vector<1x1x8x1500xf32>
    %get3A_48 = vector.shape_cast %get3A_47 : vector<1x1x8x1500xf32> to vector<8x1500xf32>
    %get3A_49 = arith.constant 0 : index
    %get3A_50 = arith.constant 3 : index
    %get3A_51 = arith.constant 0 : index
    %get3A_52 = arith.constant 0 : index
    %get3A_53 = vector.load %arg3[%get3A_49, %get3A_50, %get3A_51, %get3A_52] : memref<1x4x8x1500xf32, #tpu.memory_space<vmem>>, vector<1x1x8x1500xf32>
    %get3A_54 = vector.shape_cast %get3A_53 : vector<1x1x8x1500xf32> to vector<8x1500xf32>
    %sub3A = arith.subf %get3A_24, %get3A_12 : vector<8x1500xf32>
    %add3A = arith.constant 1.000000e+00 : f32
    %add3A_55 = vector.broadcast %add3A : f32 to vector<8x1500xf32>
    %add3A_56 = arith.addf %sub3A, %add3A_55 : vector<8x1500xf32>
    %sub3A_57 = arith.subf %get3A_30, %get3A_18 : vector<8x1500xf32>
    %add3A_58 = arith.constant 1.000000e+00 : f32
    %add3A_59 = vector.broadcast %add3A_58 : f32 to vector<8x1500xf32>
    %add3A_60 = arith.addf %sub3A_57, %add3A_59 : vector<8x1500xf32>
    %mul3A = arith.constant 5.000000e-01 : f32
    %mul3A_61 = vector.broadcast %mul3A : f32 to vector<8x1500xf32>
    %mul3A_62 = arith.mulf %mul3A_61, %add3A_56 : vector<8x1500xf32>
    %add3A_63 = arith.addf %get3A_12, %mul3A_62 : vector<8x1500xf32>
    %mul3A_64 = arith.constant 5.000000e-01 : f32
    %mul3A_65 = vector.broadcast %mul3A_64 : f32 to vector<8x1500xf32>
    %mul3A_66 = arith.mulf %mul3A_65, %add3A_60 : vector<8x1500xf32>
    %add3A_67 = arith.addf %get3A_18, %mul3A_66 : vector<8x1500xf32>
    %mul3A_68 = arith.mulf %get3A_36, %add3A_56 : vector<8x1500xf32>
    %add3A_69 = arith.addf %mul3A_68, %add3A_63 : vector<8x1500xf32>
    %mul3A_70 = arith.mulf %get3A_42, %add3A_60 : vector<8x1500xf32>
    %add3A_71 = arith.addf %mul3A_70, %add3A_67 : vector<8x1500xf32>
    %exp3A = math.exp %get3A_48 : vector<8x1500xf32>
    %mul3A_72 = arith.mulf %exp3A, %add3A_56 : vector<8x1500xf32>
    %exp3A_73 = math.exp %get3A_54 : vector<8x1500xf32>
    %mul3A_74 = arith.mulf %exp3A_73, %add3A_60 : vector<8x1500xf32>
    %mul3A_75 = arith.constant 5.000000e-01 : f32
    %mul3A_76 = vector.broadcast %mul3A_75 : f32 to vector<8x1500xf32>
    %mul3A_77 = arith.mulf %mul3A_76, %mul3A_72 : vector<8x1500xf32>
    %sub3A_78 = arith.subf %add3A_69, %mul3A_77 : vector<8x1500xf32>
    %sub3A_79 = arith.constant 1.000000e+00 : f32
    %sub3A_80 = arith.subf %get3A_6, %sub3A_79 : f32
    %jit3A = arith.constant 0.000000e+00 : f32
    %max3A = vector.broadcast %jit3A : f32 to vector<8x1500xf32>
    %max3A_81 = arith.maximumf %max3A, %sub3A_78 : vector<8x1500xf32>
    %min3A = vector.broadcast %sub3A_80 : f32 to vector<8x1500xf32>
    %min3A_82 = arith.minimumf %min3A, %max3A_81 : vector<8x1500xf32>
    %mul3A_83 = arith.constant 5.000000e-01 : f32
    %mul3A_84 = vector.broadcast %mul3A_83 : f32 to vector<8x1500xf32>
    %mul3A_85 = arith.mulf %mul3A_84, %mul3A_74 : vector<8x1500xf32>
    %sub3A_86 = arith.subf %add3A_71, %mul3A_85 : vector<8x1500xf32>
    %sub3A_87 = arith.constant 1.000000e+00 : f32
    %sub3A_88 = arith.subf %get3A_2, %sub3A_87 : f32
    %jit3A_89 = arith.constant 0.000000e+00 : f32
    %max3A_90 = vector.broadcast %jit3A_89 : f32 to vector<8x1500xf32>
    %max3A_91 = arith.maximumf %max3A_90, %sub3A_86 : vector<8x1500xf32>
    %min3A_92 = vector.broadcast %sub3A_88 : f32 to vector<8x1500xf32>
    %min3A_93 = arith.minimumf %min3A_92, %max3A_91 : vector<8x1500xf32>
    %mul3A_94 = arith.constant 5.000000e-01 : f32
    %mul3A_95 = vector.broadcast %mul3A_94 : f32 to vector<8x1500xf32>
    %mul3A_96 = arith.mulf %mul3A_95, %mul3A_72 : vector<8x1500xf32>
    %add3A_97 = arith.addf %add3A_69, %mul3A_96 : vector<8x1500xf32>
    %sub3A_98 = arith.constant 1.000000e+00 : f32
    %sub3A_99 = arith.subf %get3A_6, %sub3A_98 : f32
    %jit3A_100 = arith.constant 0.000000e+00 : f32
    %max3A_101 = vector.broadcast %jit3A_100 : f32 to vector<8x1500xf32>
    %max3A_102 = arith.maximumf %max3A_101, %add3A_97 : vector<8x1500xf32>
    %min3A_103 = vector.broadcast %sub3A_99 : f32 to vector<8x1500xf32>
    %min3A_104 = arith.minimumf %min3A_103, %max3A_102 : vector<8x1500xf32>
    %mul3A_105 = arith.constant 5.000000e-01 : f32
    %mul3A_106 = vector.broadcast %mul3A_105 : f32 to vector<8x1500xf32>
    %mul3A_107 = arith.mulf %mul3A_106, %mul3A_74 : vector<8x1500xf32>
    %add3A_108 = arith.addf %add3A_71, %mul3A_107 : vector<8x1500xf32>
    %sub3A_109 = arith.constant 1.000000e+00 : f32
    %sub3A_110 = arith.subf %get3A_2, %sub3A_109 : f32
    %jit3A_111 = arith.constant 0.000000e+00 : f32
    %max3A_112 = vector.broadcast %jit3A_111 : f32 to vector<8x1500xf32>
    %max3A_113 = arith.maximumf %max3A_112, %add3A_108 : vector<8x1500xf32>
    %min3A_114 = vector.broadcast %sub3A_110 : f32 to vector<8x1500xf32>
    %min3A_115 = arith.minimumf %min3A_114, %max3A_113 : vector<8x1500xf32>
    %swap3A = arith.constant 0 : index
    %swap3A_116 = arith.constant 0 : index
    %swap3A_117 = arith.constant 0 : index
    %swap3A_118 = vector.load %arg5[%swap3A, %swap3A_116, %swap3A_117] : memref<6x8x1500xf32, #tpu.memory_space<vmem>>, vector<1x8x1500xf32>
    %swap3A_119 = vector.shape_cast %swap3A_118 : vector<1x8x1500xf32> to vector<8x1500xf32>
    %swap3A_120 = vector.shape_cast %min3A_82 : vector<8x1500xf32> to vector<1x8x1500xf32>
    tpu.vector_store %arg5[%swap3A, %swap3A_116, %swap3A_117], %swap3A_120 {strides = array<i32>} : memref<6x8x1500xf32, #tpu.memory_space<vmem>>, vector<1x8x1500xf32>,
    %swap3A_121 = arith.constant 1 : index
    %swap3A_122 = arith.constant 0 : index
    %swap3A_123 = arith.constant 0 : index
    %swap3A_124 = vector.load %arg5[%swap3A_121, %swap3A_122, %swap3A_123] : memref<6x8x1500xf32, #tpu.memory_space<vmem>>, vector<1x8x1500xf32>
    %swap3A_125 = vector.shape_cast %swap3A_124 : vector<1x8x1500xf32> to vector<8x1500xf32>
    %swap3A_126 = vector.shape_cast %min3A_93 : vector<8x1500xf32> to vector<1x8x1500xf32>
    tpu.vector_store %arg5[%swap3A_121, %swap3A_122, %swap3A_123], %swap3A_126 {strides = array<i32>} : memref<6x8x1500xf32, #tpu.memory_space<vmem>>, vector<1x8x1500xf32>,
    %swap3A_127 = arith.constant 2 : index
    %swap3A_128 = arith.constant 0 : index
    %swap3A_129 = arith.constant 0 : index
    %swap3A_130 = vector.load %arg5[%swap3A_127, %swap3A_128, %swap3A_129] : memref<6x8x1500xf32, #tpu.memory_space<vmem>>, vector<1x8x1500xf32>
    %swap3A_131 = vector.shape_cast %swap3A_130 : vector<1x8x1500xf32> to vector<8x1500xf32>
    %swap3A_132 = vector.shape_cast %min3A_104 : vector<8x1500xf32> to vector<1x8x1500xf32>
    tpu.vector_store %arg5[%swap3A_127, %swap3A_128, %swap3A_129], %swap3A_132 {strides = array<i32>} : memref<6x8x1500xf32, #tpu.memory_space<vmem>>, vector<1x8x1500xf32>,
    %swap3A_133 = arith.constant 3 : index
    %swap3A_134 = arith.constant 0 : index
    %swap3A_135 = arith.constant 0 : index
    %swap3A_136 = vector.load %arg5[%swap3A_133, %swap3A_134, %swap3A_135] : memref<6x8x1500xf32, #tpu.memory_space<vmem>>, vector<1x8x1500xf32>
    %swap3A_137 = vector.shape_cast %swap3A_136 : vector<1x8x1500xf32> to vector<8x1500xf32>
    %swap3A_138 = vector.shape_cast %min3A_115 : vector<8x1500xf32> to vector<1x8x1500xf32>
    tpu.vector_store %arg5[%swap3A_133, %swap3A_134, %swap3A_135], %swap3A_138 {strides = array<i32>} : memref<6x8x1500xf32, #tpu.memory_space<vmem>>, vector<1x8x1500xf32>,
    %sub3A_139 = arith.subf %min3A_104, %min3A_82 : vector<8x1500xf32>
    %add3A_140 = arith.constant 1.000000e+00 : f32
    %add3A_141 = vector.broadcast %add3A_140 : f32 to vector<8x1500xf32>
    %add3A_142 = arith.addf %sub3A_139, %add3A_141 : vector<8x1500xf32>
    %sub3A_143 = arith.subf %min3A_115, %min3A_93 : vector<8x1500xf32>
    %add3A_144 = arith.constant 1.000000e+00 : f32
    %add3A_145 = vector.broadcast %add3A_144 : f32 to vector<8x1500xf32>
    %add3A_146 = arith.addf %sub3A_143, %add3A_145 : vector<8x1500xf32>
    %mul3A_147 = arith.mulf %add3A_142, %add3A_146 : vector<8x1500xf32>
    %swap3A_148 = arith.constant 4 : index
    %swap3A_149 = arith.constant 0 : index
    %swap3A_150 = arith.constant 0 : index
    %swap3A_151 = vector.load %arg5[%swap3A_148, %swap3A_149, %swap3A_150] : memref<6x8x1500xf32, #tpu.memory_space<vmem>>, vector<1x8x1500xf32>
    %swap3A_152 = vector.shape_cast %swap3A_151 : vector<1x8x1500xf32> to vector<8x1500xf32>
    %swap3A_153 = vector.shape_cast %mul3A_147 : vector<8x1500xf32> to vector<1x8x1500xf32>
    tpu.vector_store %arg5[%swap3A_148, %swap3A_149, %swap3A_150], %swap3A_153 {strides = array<i32>} : memref<6x8x1500xf32, #tpu.memory_space<vmem>>, vector<1x8x1500xf32>,
    %iota3A = tpu.iota {dimensions = array<i32: 1>} : vector<2000x5xi32>
    %eq3A = arith.constant 0 : i32
    %eq3A_154 = vector.broadcast %eq3A : i32 to vector<2000x5xi32>
    %eq3A_155 = arith.cmpi eq, %iota3A, %eq3A_154 : vector<2000x5xi32>
    %convert_element_type3A = arith.sitofp %arg0 : i32 to f32
    %jit3A_156 = arith.constant 0.000000e+00 : f32
    %broadcast_in_dim3A = vector.broadcast %convert_element_type3A : f32 to vector<2000x5xf32>
    %broadcast_in_dim3A_157 = vector.broadcast %jit3A_156 : f32 to vector<2000x5xf32>
    %select_n3A = arith.select %eq3A_155, %broadcast_in_dim3A, %broadcast_in_dim3A_157 : vector<2000x5xi1>, vector<2000x5xf32>
    %swap3A_158 = arith.constant 0 : index
    %swap3A_159 = arith.constant 0 : index
    %swap3A_160 = arith.constant 0 : index
    %swap3A_161 = vector.load %arg4[%swap3A_158, %swap3A_159, %swap3A_160] : memref<1x2000x5xf32, #tpu.memory_space<vmem>>, vector<1x2000x5xf32>
    %swap3A_162 = vector.shape_cast %swap3A_161 : vector<1x2000x5xf32> to vector<2000x5xf32>
    %swap3A_163 = vector.shape_cast %select_n3A : vector<2000x5xf32> to vector<1x2000x5xf32>
    tpu.vector_store %arg4[%swap3A_158, %swap3A_159, %swap3A_160], %swap3A_163 {strides = array<i32>} : memref<1x2000x5xf32, #tpu.memory_space<vmem>>, vector<1x2000x5xf32>,
    %swap3A_164 = arith.constant 0 : i32
    %swap3A_165 = arith.constant 0 : index
    %swap3A_166 = memref.load %arg6[%swap3A_165] : memref<1xi32, #tpu.memory_space<smem>>
    memref.store %swap3A_164, %arg6[%swap3A_165] : memref<1xi32, #tpu.memory_space<smem>>
    %iota3A_167 = tpu.iota {dimensions = array<i32: 0>} : vector<8x1500xi32>
    %mul3A_168 = arith.constant 1500 : i32
    %mul3A_169 = vector.broadcast %mul3A_168 : i32 to vector<8x1500xi32>
    %mul3A_170 = arith.muli %iota3A_167, %mul3A_169 : vector<8x1500xi32>
    %iota3A_171 = tpu.iota {dimensions = array<i32: 1>} : vector<8x1500xi32>
    %add3A_172 = arith.addi %mul3A_170, %iota3A_171 : vector<8x1500xi32>
    %convert_element_type3A_173 = arith.sitofp %add3A_172 : vector<8x1500xi32> to vector<8x1500xf32>
    %swap3A_174 = arith.constant 5 : index
    %swap3A_175 = arith.constant 0 : index
    %swap3A_176 = arith.constant 0 : index
    %swap3A_177 = vector.load %arg5[%swap3A_174, %swap3A_175, %swap3A_176] : memref<6x8x1500xf32, #tpu.memory_space<vmem>>, vector<1x8x1500xf32>
    %swap3A_178 = vector.shape_cast %swap3A_177 : vector<1x8x1500xf32> to vector<8x1500xf32>
    %swap3A_179 = vector.shape_cast %convert_element_type3A_173 : vector<8x1500xf32> to vector<1x8x1500xf32>
    tpu.vector_store %arg5[%swap3A_174, %swap3A_175, %swap3A_176], %swap3A_179 {strides = array<i32>} : memref<6x8x1500xf32, #tpu.memory_space<vmem>>, vector<1x8x1500xf32>,
    %while3A = arith.constant 0.000000e+00 : f32
    %while3A_180 = arith.constant 0 : i32
    %while3A_181:2 = scf.while (%while3A_182 = %while3A, %while3A_183 = %while3A_180) : (f32, i32) -> (f32, i32) {
      %lt3A = arith.constant 1.200000e+04 : f32
      %lt3A_184 = arith.cmpf olt, %while3A_182, %lt3A : f32
      %lt3A_185 = arith.constant 2000 : i32
      %lt3A_186 = arith.cmpi slt, %while3A_183, %lt3A_185 : i32
      %and3A = arith.andi %lt3A_184, %lt3A_186 : i1
      scf.condition(%and3A) %while3A_182, %while3A_183 : f32, i32
    } do {
    ^bb0(%while3A_182: f32, %while3A_183: i32):
      %get3A_184 = arith.constant 5 : index
      %get3A_185 = arith.constant 0 : index
      %get3A_186 = arith.constant 0 : index
      %get3A_187 = vector.load %arg5[%get3A_184, %get3A_185, %get3A_186] : memref<6x8x1500xf32, #tpu.memory_space<vmem>>, vector<1x8x1500xf32>
      %get3A_188 = vector.shape_cast %get3A_187 : vector<1x8x1500xf32> to vector<8x1500xf32>
      %ge3A = vector.broadcast %while3A_182 : f32 to vector<8x1500xf32>
      %ge3A_189 = arith.cmpf oge, %get3A_188, %ge3A : vector<8x1500xf32>
      %jit3A_190 = arith.constant 1.200000e+04 : f32
      %broadcast_in_dim3A_191 = vector.broadcast %jit3A_190 : f32 to vector<8x1500xf32>
      %select_n3A_192 = arith.select %ge3A_189, %get3A_188, %broadcast_in_dim3A_191 : vector<8x1500xi1>, vector<8x1500xf32>
      %reduce_min3A = vector.shape_cast %select_n3A_192 : vector<8x1500xf32> to vector<1x8x1500xf32>
      %reduce_min3A_193 = arith.constant dense<0x7F800000> : vector<1xf32>
      %reduce_min3A_194 = vector.multi_reduction <minimumf>, %reduce_min3A, %reduce_min3A_193 [1, 2] : vector<1x8x1500xf32> to vector<1xf32>
      %reduce_min3A_195 = vector.shape_cast %reduce_min3A_194 : vector<1xf32> to vector<1x1x1xf32>
      %reduce_min3A_196 = vector.extract %reduce_min3A_195[0, 0, 0] : f32 from vector<1x1x1xf32>
      %lt3A = arith.constant 1.200000e+04 : f32
      %lt3A_197 = arith.cmpf olt, %reduce_min3A_196, %lt3A : f32
      %convert_element_type3A_198 = arith.extui %lt3A_197 : i1 to i32
      %cond3A = arith.constant 0 : i32
      %cond3A_199 = arith.cmpi ne, %convert_element_type3A_198, %cond3A : i32
      scf.if %cond3A_199 {
        %get3A_204 = arith.constant 0 : index
        %get3A_205 = memref.load %arg6[%get3A_204] : memref<1xi32, #tpu.memory_space<smem>>
        %get3A_206 = arith.constant 5 : index
        %get3A_207 = arith.constant 0 : index
        %get3A_208 = arith.constant 0 : index
        %get3A_209 = vector.load %arg5[%get3A_206, %get3A_207, %get3A_208] : memref<6x8x1500xf32, #tpu.memory_space<vmem>>, vector<1x8x1500xf32>
        %get3A_210 = vector.shape_cast %get3A_209 : vector<1x8x1500xf32> to vector<8x1500xf32>
        %eq3A_211 = vector.broadcast %reduce_min3A_196 : f32 to vector<8x1500xf32>
        %eq3A_212 = arith.cmpf oeq, %get3A_210, %eq3A_211 : vector<8x1500xf32>
        %get3A_213 = arith.constant 0 : index
        %get3A_214 = arith.constant 0 : index
        %get3A_215 = arith.constant 0 : index
        %get3A_216 = vector.load %arg5[%get3A_213, %get3A_214, %get3A_215] : memref<6x8x1500xf32, #tpu.memory_space<vmem>>, vector<1x8x1500xf32>
        %get3A_217 = vector.shape_cast %get3A_216 : vector<1x8x1500xf32> to vector<8x1500xf32>
        %jit3A_218 = arith.constant 0.000000e+00 : f32
        %broadcast_in_dim3A_219 = vector.broadcast %jit3A_218 : f32 to vector<8x1500xf32>
        %select_n3A_220 = arith.select %eq3A_212, %get3A_217, %broadcast_in_dim3A_219 : vector<8x1500xi1>, vector<8x1500xf32>
        %reduce_sum3A = vector.shape_cast %select_n3A_220 : vector<8x1500xf32> to vector<1x8x1500xf32>
        %reduce_sum3A_221 = arith.constant dense<0.000000e+00> : vector<1xf32>
        %reduce_sum3A_222 = vector.multi_reduction <add>, %reduce_sum3A, %reduce_sum3A_221 [1, 2] : vector<1x8x1500xf32> to vector<1xf32>
        %reduce_sum3A_223 = vector.shape_cast %reduce_sum3A_222 : vector<1xf32> to vector<1x1x1xf32>
        %reduce_sum3A_224 = vector.extract %reduce_sum3A_223[0, 0, 0] : f32 from vector<1x1x1xf32>
        %get3A_225 = arith.constant 1 : index
        %get3A_226 = arith.constant 0 : index
        %get3A_227 = arith.constant 0 : index
        %get3A_228 = vector.load %arg5[%get3A_225, %get3A_226, %get3A_227] : memref<6x8x1500xf32, #tpu.memory_space<vmem>>, vector<1x8x1500xf32>
        %get3A_229 = vector.shape_cast %get3A_228 : vector<1x8x1500xf32> to vector<8x1500xf32>
        %jit3A_230 = arith.constant 0.000000e+00 : f32
        %broadcast_in_dim3A_231 = vector.broadcast %jit3A_230 : f32 to vector<8x1500xf32>
        %select_n3A_232 = arith.select %eq3A_212, %get3A_229, %broadcast_in_dim3A_231 : vector<8x1500xi1>, vector<8x1500xf32>
        %reduce_sum3A_233 = vector.shape_cast %select_n3A_232 : vector<8x1500xf32> to vector<1x8x1500xf32>
        %reduce_sum3A_234 = arith.constant dense<0.000000e+00> : vector<1xf32>
        %reduce_sum3A_235 = vector.multi_reduction <add>, %reduce_sum3A_233, %reduce_sum3A_234 [1, 2] : vector<1x8x1500xf32> to vector<1xf32>
        %reduce_sum3A_236 = vector.shape_cast %reduce_sum3A_235 : vector<1xf32> to vector<1x1x1xf32>
        %reduce_sum3A_237 = vector.extract %reduce_sum3A_236[0, 0, 0] : f32 from vector<1x1x1xf32>
        %get3A_238 = arith.constant 2 : index
        %get3A_239 = arith.constant 0 : index
        %get3A_240 = arith.constant 0 : index
        %get3A_241 = vector.load %arg5[%get3A_238, %get3A_239, %get3A_240] : memref<6x8x1500xf32, #tpu.memory_space<vmem>>, vector<1x8x1500xf32>
        %get3A_242 = vector.shape_cast %get3A_241 : vector<1x8x1500xf32> to vector<8x1500xf32>
        %jit3A_243 = arith.constant 0.000000e+00 : f32
        %broadcast_in_dim3A_244 = vector.broadcast %jit3A_243 : f32 to vector<8x1500xf32>
        %select_n3A_245 = arith.select %eq3A_212, %get3A_242, %broadcast_in_dim3A_244 : vector<8x1500xi1>, vector<8x1500xf32>
        %reduce_sum3A_246 = vector.shape_cast %select_n3A_245 : vector<8x1500xf32> to vector<1x8x1500xf32>
        %reduce_sum3A_247 = arith.constant dense<0.000000e+00> : vector<1xf32>
        %reduce_sum3A_248 = vector.multi_reduction <add>, %reduce_sum3A_246, %reduce_sum3A_247 [1, 2] : vector<1x8x1500xf32> to vector<1xf32>
        %reduce_sum3A_249 = vector.shape_cast %reduce_sum3A_248 : vector<1xf32> to vector<1x1x1xf32>
        %reduce_sum3A_250 = vector.extract %reduce_sum3A_249[0, 0, 0] : f32 from vector<1x1x1xf32>
        %get3A_251 = arith.constant 3 : index
        %get3A_252 = arith.constant 0 : index
        %get3A_253 = arith.constant 0 : index
        %get3A_254 = vector.load %arg5[%get3A_251, %get3A_252, %get3A_253] : memref<6x8x1500xf32, #tpu.memory_space<vmem>>, vector<1x8x1500xf32>
        %get3A_255 = vector.shape_cast %get3A_254 : vector<1x8x1500xf32> to vector<8x1500xf32>
        %jit3A_256 = arith.constant 0.000000e+00 : f32
        %broadcast_in_dim3A_257 = vector.broadcast %jit3A_256 : f32 to vector<8x1500xf32>
        %select_n3A_258 = arith.select %eq3A_212, %get3A_255, %broadcast_in_dim3A_257 : vector<8x1500xi1>, vector<8x1500xf32>
        %reduce_sum3A_259 = vector.shape_cast %select_n3A_258 : vector<8x1500xf32> to vector<1x8x1500xf32>
        %reduce_sum3A_260 = arith.constant dense<0.000000e+00> : vector<1xf32>
        %reduce_sum3A_261 = vector.multi_reduction <add>, %reduce_sum3A_259, %reduce_sum3A_260 [1, 2] : vector<1x8x1500xf32> to vector<1xf32>
        %reduce_sum3A_262 = vector.shape_cast %reduce_sum3A_261 : vector<1xf32> to vector<1x1x1xf32>
        %reduce_sum3A_263 = vector.extract %reduce_sum3A_262[0, 0, 0] : f32 from vector<1x1x1xf32>
        %get3A_264 = arith.constant 4 : index
        %get3A_265 = arith.constant 0 : index
        %get3A_266 = arith.constant 0 : index
        %get3A_267 = vector.load %arg5[%get3A_264, %get3A_265, %get3A_266] : memref<6x8x1500xf32, #tpu.memory_space<vmem>>, vector<1x8x1500xf32>
        %get3A_268 = vector.shape_cast %get3A_267 : vector<1x8x1500xf32> to vector<8x1500xf32>
        %jit3A_269 = arith.constant 0.000000e+00 : f32
        %broadcast_in_dim3A_270 = vector.broadcast %jit3A_269 : f32 to vector<8x1500xf32>
        %select_n3A_271 = arith.select %eq3A_212, %get3A_268, %broadcast_in_dim3A_270 : vector<8x1500xi1>, vector<8x1500xf32>
        %reduce_sum3A_272 = vector.shape_cast %select_n3A_271 : vector<8x1500xf32> to vector<1x8x1500xf32>
        %reduce_sum3A_273 = arith.constant dense<0.000000e+00> : vector<1xf32>
        %reduce_sum3A_274 = vector.multi_reduction <add>, %reduce_sum3A_272, %reduce_sum3A_273 [1, 2] : vector<1x8x1500xf32> to vector<1xf32>
        %reduce_sum3A_275 = vector.shape_cast %reduce_sum3A_274 : vector<1xf32> to vector<1x1x1xf32>
        %reduce_sum3A_276 = vector.extract %reduce_sum3A_275[0, 0, 0] : f32 from vector<1x1x1xf32>
        %iota3A_277 = tpu.iota {dimensions = array<i32: 1>} : vector<1x5xi32>
        %eq3A_278 = arith.constant 0 : i32
        %eq3A_279 = vector.broadcast %eq3A_278 : i32 to vector<1x5xi32>
        %eq3A_280 = arith.cmpi eq, %iota3A_277, %eq3A_279 : vector<1x5xi32>
        %convert_element_type3A_281 = arith.sitofp %arg0 : i32 to f32
        %jit3A_282 = arith.constant 0.000000e+00 : f32
        %broadcast_in_dim3A_283 = vector.broadcast %convert_element_type3A_281 : f32 to vector<1x5xf32>
        %broadcast_in_dim3A_284 = vector.broadcast %jit3A_282 : f32 to vector<1x5xf32>
        %select_n3A_285 = arith.select %eq3A_280, %broadcast_in_dim3A_283, %broadcast_in_dim3A_284 : vector<1x5xi1>, vector<1x5xf32>
        %eq3A_286 = arith.constant 1 : i32
        %eq3A_287 = vector.broadcast %eq3A_286 : i32 to vector<1x5xi32>
        %eq3A_288 = arith.cmpi eq, %iota3A_277, %eq3A_287 : vector<1x5xi32>
        %jit3A_289 = arith.constant 0.000000e+00 : f32
        %broadcast_in_dim3A_290 = vector.broadcast %reduce_sum3A_224 : f32 to vector<1x5xf32>
        %broadcast_in_dim3A_291 = vector.broadcast %jit3A_289 : f32 to vector<1x5xf32>
        %select_n3A_292 = arith.select %eq3A_288, %broadcast_in_dim3A_290, %broadcast_in_dim3A_291 : vector<1x5xi1>, vector<1x5xf32>
        %add3A_293 = arith.addf %select_n3A_285, %select_n3A_292 : vector<1x5xf32>
        %eq3A_294 = arith.constant 2 : i32
        %eq3A_295 = vector.broadcast %eq3A_294 : i32 to vector<1x5xi32>
        %eq3A_296 = arith.cmpi eq, %iota3A_277, %eq3A_295 : vector<1x5xi32>
        %jit3A_297 = arith.constant 0.000000e+00 : f32
        %broadcast_in_dim3A_298 = vector.broadcast %reduce_sum3A_237 : f32 to vector<1x5xf32>
        %broadcast_in_dim3A_299 = vector.broadcast %jit3A_297 : f32 to vector<1x5xf32>
        %select_n3A_300 = arith.select %eq3A_296, %broadcast_in_dim3A_298, %broadcast_in_dim3A_299 : vector<1x5xi1>, vector<1x5xf32>
        %add3A_301 = arith.addf %add3A_293, %select_n3A_300 : vector<1x5xf32>
        %eq3A_302 = arith.constant 3 : i32
        %eq3A_303 = vector.broadcast %eq3A_302 : i32 to vector<1x5xi32>
        %eq3A_304 = arith.cmpi eq, %iota3A_277, %eq3A_303 : vector<1x5xi32>
        %jit3A_305 = arith.constant 0.000000e+00 : f32
        %broadcast_in_dim3A_306 = vector.broadcast %reduce_sum3A_250 : f32 to vector<1x5xf32>
        %broadcast_in_dim3A_307 = vector.broadcast %jit3A_305 : f32 to vector<1x5xf32>
        %select_n3A_308 = arith.select %eq3A_304, %broadcast_in_dim3A_306, %broadcast_in_dim3A_307 : vector<1x5xi1>, vector<1x5xf32>
        %add3A_309 = arith.addf %add3A_301, %select_n3A_308 : vector<1x5xf32>
        %eq3A_310 = arith.constant 4 : i32
        %eq3A_311 = vector.broadcast %eq3A_310 : i32 to vector<1x5xi32>
        %eq3A_312 = arith.cmpi eq, %iota3A_277, %eq3A_311 : vector<1x5xi32>
        %jit3A_313 = arith.constant 0.000000e+00 : f32
        %broadcast_in_dim3A_314 = vector.broadcast %reduce_sum3A_263 : f32 to vector<1x5xf32>
        %broadcast_in_dim3A_315 = vector.broadcast %jit3A_313 : f32 to vector<1x5xf32>
        %select_n3A_316 = arith.select %eq3A_312, %broadcast_in_dim3A_314, %broadcast_in_dim3A_315 : vector<1x5xi1>, vector<1x5xf32>
        %add3A_317 = arith.addf %add3A_309, %select_n3A_316 : vector<1x5xf32>
        %swap3A_318 = arith.constant 0 : index
        %swap3A_319 = arith.index_cast %get3A_205 : i32 to index
        %swap3A_320 = arith.constant 0 : index
        %swap3A_321 = vector.load %arg4[%swap3A_318, %swap3A_319, %swap3A_320] : memref<1x2000x5xf32, #tpu.memory_space<vmem>>, vector<1x1x5xf32>
        %swap3A_322 = vector.shape_cast %swap3A_321 : vector<1x1x5xf32> to vector<1x5xf32>
        %swap3A_323 = vector.shape_cast %add3A_317 : vector<1x5xf32> to vector<1x1x5xf32>
        tpu.vector_store %arg4[%swap3A_318, %swap3A_319, %swap3A_320], %swap3A_323 {strides = array<i32>} : memref<1x2000x5xf32, #tpu.memory_space<vmem>>, vector<1x1x5xf32>,
        %get3A_324 = arith.constant 2 : index
        %get3A_325 = arith.constant 0 : index
        %get3A_326 = arith.constant 0 : index
        %get3A_327 = vector.load %arg5[%get3A_324, %get3A_325, %get3A_326] : memref<6x8x1500xf32, #tpu.memory_space<vmem>>, vector<1x8x1500xf32>
        %get3A_328 = vector.shape_cast %get3A_327 : vector<1x8x1500xf32> to vector<8x1500xf32>
        %min3A_329 = vector.broadcast %reduce_sum3A_250 : f32 to vector<8x1500xf32>
        %min3A_330 = arith.minimumf %min3A_329, %get3A_328 : vector<8x1500xf32>
        %get3A_331 = arith.constant 0 : index
        %get3A_332 = arith.constant 0 : index
        %get3A_333 = arith.constant 0 : index
        %get3A_334 = vector.load %arg5[%get3A_331, %get3A_332, %get3A_333] : memref<6x8x1500xf32, #tpu.memory_space<vmem>>, vector<1x8x1500xf32>
        %get3A_335 = vector.shape_cast %get3A_334 : vector<1x8x1500xf32> to vector<8x1500xf32>
        %max3A_336 = vector.broadcast %reduce_sum3A_224 : f32 to vector<8x1500xf32>
        %max3A_337 = arith.maximumf %max3A_336, %get3A_335 : vector<8x1500xf32>
        %sub3A_338 = arith.subf %min3A_330, %max3A_337 : vector<8x1500xf32>
        %add3A_339 = arith.constant 1.000000e+00 : f32
        %add3A_340 = vector.broadcast %add3A_339 : f32 to vector<8x1500xf32>
        %add3A_341 = arith.addf %sub3A_338, %add3A_340 : vector<8x1500xf32>
        %max3A_342 = arith.constant 0.000000e+00 : f32
        %max3A_343 = vector.broadcast %max3A_342 : f32 to vector<8x1500xf32>
        %max3A_344 = arith.maximumf %max3A_343, %add3A_341 : vector<8x1500xf32>
        %get3A_345 = arith.constant 3 : index
        %get3A_346 = arith.constant 0 : index
        %get3A_347 = arith.constant 0 : index
        %get3A_348 = vector.load %arg5[%get3A_345, %get3A_346, %get3A_347] : memref<6x8x1500xf32, #tpu.memory_space<vmem>>, vector<1x8x1500xf32>
        %get3A_349 = vector.shape_cast %get3A_348 : vector<1x8x1500xf32> to vector<8x1500xf32>
        %min3A_350 = vector.broadcast %reduce_sum3A_263 : f32 to vector<8x1500xf32>
        %min3A_351 = arith.minimumf %min3A_350, %get3A_349 : vector<8x1500xf32>
        %get3A_352 = arith.constant 1 : index
        %get3A_353 = arith.constant 0 : index
        %get3A_354 = arith.constant 0 : index
        %get3A_355 = vector.load %arg5[%get3A_352, %get3A_353, %get3A_354] : memref<6x8x1500xf32, #tpu.memory_space<vmem>>, vector<1x8x1500xf32>
        %get3A_356 = vector.shape_cast %get3A_355 : vector<1x8x1500xf32> to vector<8x1500xf32>
        %max3A_357 = vector.broadcast %reduce_sum3A_237 : f32 to vector<8x1500xf32>
        %max3A_358 = arith.maximumf %max3A_357, %get3A_356 : vector<8x1500xf32>
        %sub3A_359 = arith.subf %min3A_351, %max3A_358 : vector<8x1500xf32>
        %add3A_360 = arith.constant 1.000000e+00 : f32
        %add3A_361 = vector.broadcast %add3A_360 : f32 to vector<8x1500xf32>
        %add3A_362 = arith.addf %sub3A_359, %add3A_361 : vector<8x1500xf32>
        %max3A_363 = arith.constant 0.000000e+00 : f32
        %max3A_364 = vector.broadcast %max3A_363 : f32 to vector<8x1500xf32>
        %max3A_365 = arith.maximumf %max3A_364, %add3A_362 : vector<8x1500xf32>
        %mul3A_366 = arith.mulf %max3A_344, %max3A_365 : vector<8x1500xf32>
        %get3A_367 = arith.constant 4 : index
        %get3A_368 = arith.constant 0 : index
        %get3A_369 = arith.constant 0 : index
        %get3A_370 = vector.load %arg5[%get3A_367, %get3A_368, %get3A_369] : memref<6x8x1500xf32, #tpu.memory_space<vmem>>, vector<1x8x1500xf32>
        %get3A_371 = vector.shape_cast %get3A_370 : vector<1x8x1500xf32> to vector<8x1500xf32>
        %add3A_372 = vector.broadcast %reduce_sum3A_276 : f32 to vector<8x1500xf32>
        %add3A_373 = arith.addf %add3A_372, %get3A_371 : vector<8x1500xf32>
        %sub3A_374 = arith.subf %add3A_373, %mul3A_366 : vector<8x1500xf32>
        %div3A = arith.divf %mul3A_366, %sub3A_374 : vector<8x1500xf32>
        %get3A_375 = arith.constant 5 : index
        %get3A_376 = arith.constant 0 : index
        %get3A_377 = arith.constant 0 : index
        %get3A_378 = vector.load %arg5[%get3A_375, %get3A_376, %get3A_377] : memref<6x8x1500xf32, #tpu.memory_space<vmem>>, vector<1x8x1500xf32>
        %get3A_379 = vector.shape_cast %get3A_378 : vector<1x8x1500xf32> to vector<8x1500xf32>
        %gt3A = vector.broadcast %reduce_min3A_196 : f32 to vector<8x1500xf32>
        %gt3A_380 = arith.cmpf ogt, %get3A_379, %gt3A : vector<8x1500xf32>
        %gt3A_381 = arith.constant 0.699999988 : f32
        %gt3A_382 = vector.broadcast %gt3A_381 : f32 to vector<8x1500xf32>
        %gt3A_383 = arith.cmpf ogt, %div3A, %gt3A_382 : vector<8x1500xf32>
        %and3A = arith.andi %gt3A_380, %gt3A_383 : vector<8x1500xi1>
        %get3A_384 = arith.constant 5 : index
        %get3A_385 = arith.constant 0 : index
        %get3A_386 = arith.constant 0 : index
        %get3A_387 = vector.load %arg5[%get3A_384, %get3A_385, %get3A_386] : memref<6x8x1500xf32, #tpu.memory_space<vmem>>, vector<1x8x1500xf32>
        %get3A_388 = vector.shape_cast %get3A_387 : vector<1x8x1500xf32> to vector<8x1500xf32>
        %jit3A_389 = arith.constant 1.200000e+04 : f32
        %broadcast_in_dim3A_390 = vector.broadcast %jit3A_389 : f32 to vector<8x1500xf32>
        %select_n3A_391 = arith.select %and3A, %broadcast_in_dim3A_390, %get3A_388 : vector<8x1500xi1>, vector<8x1500xf32>
        %swap3A_392 = arith.constant 5 : index
        %swap3A_393 = arith.constant 0 : index
        %swap3A_394 = arith.constant 0 : index
        %swap3A_395 = vector.load %arg5[%swap3A_392, %swap3A_393, %swap3A_394] : memref<6x8x1500xf32, #tpu.memory_space<vmem>>, vector<1x8x1500xf32>
        %swap3A_396 = vector.shape_cast %swap3A_395 : vector<1x8x1500xf32> to vector<8x1500xf32>
        %swap3A_397 = vector.shape_cast %select_n3A_391 : vector<8x1500xf32> to vector<1x8x1500xf32>
        tpu.vector_store %arg5[%swap3A_392, %swap3A_393, %swap3A_394], %swap3A_397 {strides = array<i32>} : memref<6x8x1500xf32, #tpu.memory_space<vmem>>, vector<1x8x1500xf32>,
        %add3A_398 = arith.constant 1 : i32
        %add3A_399 = arith.addi %get3A_205, %add3A_398 : i32
        %swap3A_400 = arith.constant 0 : index
        %swap3A_401 = memref.load %arg6[%swap3A_400] : memref<1xi32, #tpu.memory_space<smem>>
        memref.store %add3A_399, %arg6[%swap3A_400] : memref<1xi32, #tpu.memory_space<smem>>
      } else {
      }
      %add3A_200 = arith.constant 1.000000e+00 : f32
      %add3A_201 = arith.addf %reduce_min3A_196, %add3A_200 : f32
      %get3A_202 = arith.constant 0 : index
      %get3A_203 = memref.load %arg6[%get3A_202] : memref<1xi32, #tpu.memory_space<smem>>
      scf.yield %add3A_201, %get3A_203 : f32, i32
    }
    return
  }
  func.func @transform_0(%arg0: i32) -> (i32, i32) {
    %c0_i32 = arith.constant 0 : i32
    %c0_i32_0 = arith.constant 0 : i32
    %c0_i32_1 = arith.constant 0 : i32
    return %c0_i32, %c0_i32_0 : i32, i32
  }
  func.func @transform_1(%arg0: i32) -> (i32, i32, i32, i32) {
    %c0_i32 = arith.constant 0 : i32
    %c0_i32_0 = arith.constant 0 : i32
    %c0_i32_1 = arith.constant 0 : i32
    %c0_i32_2 = arith.constant 0 : i32
    return %arg0, %c0_i32, %c0_i32_0, %c0_i32_1 : i32, i32, i32, i32
  }
  func.func @transform_2(%arg0: i32) -> (i32, i32, i32, i32) {
    %c0_i32 = arith.constant 0 : i32
    %c0_i32_0 = arith.constant 0 : i32
    %c0_i32_1 = arith.constant 0 : i32
    %c0_i32_2 = arith.constant 0 : i32
    return %arg0, %c0_i32, %c0_i32_0, %c0_i32_1 : i32, i32, i32, i32
  }
  func.func @transform_3(%arg0: i32) -> (i32, i32, i32) {
    %c0_i32 = arith.constant 0 : i32
    %c0_i32_0 = arith.constant 0 : i32
    %c0_i32_1 = arith.constant 0 : i32
    return %arg0, %c0_i32, %c0_i32_0 : i32, i32, i32
  }
}

</mosaic_0001>

<sc_bundles>
// kernel: gather_offload_async_start
scs
__scs_entry_jumppad:
0x0: {  	(pc) =	sbr.rel $0x88, $3  }
0x1: {  	(tag) =	ssettag $0x0;
	lr =	simm.s32 $0x1  }
0x2: {  	[smem:$0x3F9E] =	sst lr;
	_ =	strace $0xD0000000  }
0x3: {  	_ = 	snop  }
0x4: {  	_ = 	snop  }
0x5: {  	_ = 	snop  }
0x6: {  	_ = 	snop  }
0x7: {  	_ = 	snop  }
__scs_overlays_trampoline_lowered:
0x8: {  	[smem:$0x3FAD] =	sst s0  }
0x9: {  	[smem:$0x3FAE] =	sst s1  }
0xa: {  	[smem:$0x3FAF] =	sst s2  }
0xb: {  	[smem:$0x3FB0] =	sst s3  }
0xc: {  	[smem:$0x3FB1] =	sst s4  }
0xd: {  	[smem:$0x3FB2] =	sst s5  }
0xe: {  	[smem:$0x3FB3] =	sst s6  }
0xf: {  	[smem:$0x3FB4] =	sst s7  }
0x10: {  	[smem:$0x3FB5] =	sst s8  }
0x11: {  	[smem:$0x3FB6] =	sst s9;
	s0 =	simm.s32 @!p0 $0x0  }
0x12: {  	s1 =	sld [smem:$0x3F9C];
	s0 =	simm.s32 @p0 $0x1  }
0x13: {  	[smem:$0x3FB7] =	sst s0;
	s0 =	simm.s32 @!p1 $0x0  }
0x14: {  	s2 =	sld [smem:$0x3F9B];
	s0 =	simm.s32 @p1 $0x1  }
0x15: {  	[smem:$0x3FB8] =	sst s0;
	s0 =	simm.s32 @!p2 $0x0  }
0x16: {  	s3 =	sld [smem:$0x3FDB];
	s0 =	simm.s32 @p2 $0x1  }
0x17: {  	s4 =	simm.s32 $0x1BF5;
	[smem:$0x3FBA] =	sst s0  }
0x18: {  	s0 =	sld [smem:$0x3F9D];
	_ =	swait.ge [sflag:s4], $0x0  }
0x19: {  	s7 =	sld [smem:$0x3F9E]  }
0x1a: {  	s8 =	sadd.s32 $0xFFFFE003, lr  }
0x1b: {  	s9 =	sadd.s32 $0xFFFFFEF7, lr;
	s5 =	simm.s32 $0xFFFFFFFF;
	p2 =	slt.u32 s8, $0xFFFFF086  }
0x1c: {  	p1 =	slt.u32 s9, $0xF7A;
	s5 =	simm.s32 @!p2 $0x0  }
0x1d: {  	s5 =	simm.s32 @p1 $0x1;
	p0 =	seq.s32 s7, s2  }
0x1e: {  	s7 =	smul.u32 @!p0 $0xF7A, s2;
	p2 =	seq.s32 @!p0 s5, $0x0  }
0x1f: {  	s9 =	smul.u32 $0xF7A, s1;
	s8 =	simm.s32 @!p0 $0x1BF5;
	p2 =	por !p2, p0  }
0x20: {  	[sflag:s8] =	ssyncset.s32 @!p0 $0xFFFFF086;
	s6 =	sadd.s32 @!p0 s3, s7;
	s7 =	simm.s32 @!p0 $0x108  }
0x21: {  	s3 =	sadd.s32 s3, s9;
	s6 =	sadd.s32 @!p0 $0x88, s6;
	s7 =	simm.s32 @p2 $0x1082  }
0x22: {  	[simem:s7], [sflag:s8] =	dma.local @!p0 [hbm:s6], $0xF7A  }
0x23: {  	s9 =	sor.u32 $0xD0000000, s2;
	s6 =	simm.s32 $0x108;
	_ =	swait.ge @!p0 [sflag:s8], $0x0  }
0x24: {  	s3 =	sadd.s32 $0x88, s3;
	s6 =	simm.s32 @!p1 $0x1082;
	[sflag:s4] =	ssyncset.s32 $0xFFFFF086  }
0x25: {  	[simem:s6], [sflag:s4] =	dma.local [hbm:s3], $0xF7A  }
0x26: {  	[smem:$0x3F9E] =	sst s1;
	(tag) =	ssettag s2;
	_ =	strace s9  }
0x27: {  	s1 =	sld [smem:$0x3FAE]  }
0x28: {  	s2 =	sld [smem:$0x3FAF]  }
0x29: {  	s4 =	sld [smem:$0x3FB1]  }
0x2a: {  	p0 =	seq.s32 s5, $0x0;
	s5 =	sld [smem:$0x3FB2]  }
0x2b: {  	s6 =	sld [smem:$0x3FB3]  }
0x2c: {  	s7 =	sld [smem:$0x3FB4]  }
0x2d: {  	s3 =	simm.s32 $0x108;
	s8 =	sld [smem:$0x3FB5]  }
0x2e: {  	s3 =	simm.s32 @!p0 $0x1082;
	s9 =	sld [smem:$0x3FB6]  }
0x2f: {  	lr =	sadd.s32 s0, s3;
	s0 =	sld [smem:$0x3FAD]  }
0x30: {  	s3 =	sld [smem:$0x3FB0]  }
0x31: {  	[smem:$0x3FB9] =	sst s10  }
0x32: {  	s10 =	sld [smem:$0x3FB7];
	_ =	sdelay $0x3  }
0x33: {  	p0 =	seq.s32 s10, $0x1;
	s10 =	sld [smem:$0x3FB9];
	_ =	sdelay $0x3  }
0x34: {  	[smem:$0x3FB9] =	sst s10  }
0x35: {  	s10 =	sld [smem:$0x3FB8];
	_ =	sdelay $0x3  }
0x36: {  	p1 =	seq.s32 s10, $0x1;
	s10 =	sld [smem:$0x3FB9];
	_ =	sdelay $0x3  }
0x37: {  	[smem:$0x3FB9] =	sst s10  }
0x38: {  	s10 =	sld [smem:$0x3FBA]  }
0x39: {  	_ = 	snop;
	(pc) =	sbr.ind lr, $3  }
0x3a: {  	_ = 	snop  }
0x3b: {  	_ = 	snop  }
0x3c: {  	p2 =	seq.s32 s10, $0x1;
	s10 =	sld [smem:$0x3FB9]  }
0x3d: {  	_ =	shalt  }
0x3e: {  	_ =	shalt  }
0x3f: {  	_ =	shalt  }
0x40: {  	_ =	shalt  }
0x41: {  	_ =	shalt  }
0x42: {  	_ =	shalt  }
0x43: {  	_ =	shalt  }
0x44: {  	_ =	shalt  }
0x45: {  	_ =	shalt  }
0x46: {  	_ =	shalt  }
0x47: {  	_ =	shalt  }
0x48: {  	_ =	shalt  }
0x49: {  	_ =	shalt  }
0x4a: {  	_ =	shalt  }
0x4b: {  	_ =	shalt  }
0x4c: {  	_ =	shalt  }
0x4d: {  	_ =	shalt  }
0x4e: {  	_ =	shalt  }
0x4f: {  	_ =	shalt  }
0x50: {  	_ =	shalt  }
0x51: {  	_ =	shalt  }
0x52: {  	_ =	shalt  }
0x53: {  	_ =	shalt  }
0x54: {  	_ =	shalt  }
0x55: {  	_ =	shalt  }
0x56: {  	_ =	shalt  }
0x57: {  	_ =	shalt  }
0x58: {  	_ =	shalt  }
0x59: {  	_ =	shalt  }
0x5a: {  	_ =	shalt  }
0x5b: {  	_ =	shalt  }
0x5c: {  	_ =	shalt  }
0x5d: {  	_ =	shalt  }
0x5e: {  	_ =	shalt  }
0x5f: {  	_ =	shalt  }
0x60: {  	_ =	shalt  }
0x61: {  	_ =	shalt  }
0x62: {  	_ =	shalt  }
0x63: {  	_ =	shalt  }
0x64: {  	_ =	shalt  }
0x65: {  	_ =	shalt  }
0x66: {  	_ =	shalt  }
0x67: {  	_ =	shalt  }
0x68: {  	_ =	shalt  }
0x69: {  	_ =	shalt  }
0x6a: {  	_ =	shalt  }
0x6b: {  	_ =	shalt  }
0x6c: {  	_ =	shalt  }
0x6d: {  	_ =	shalt  }
0x6e: {  	_ =	shalt  }
0x6f: {  	_ =	shalt  }
0x70: {  	_ =	shalt  }
0x71: {  	_ =	shalt  }
0x72: {  	_ =	shalt  }
0x73: {  	_ =	shalt  }
0x74: {  	_ =	shalt  }
0x75: {  	_ =	shalt  }
0x76: {  	_ =	shalt  }
0x77: {  	_ =	shalt  }
0x78: {  	_ =	shalt  }
0x79: {  	_ =	shalt  }
0x7a: {  	_ =	shalt  }
0x7b: {  	_ =	shalt  }
0x7c: {  	_ =	shalt  }
0x7d: {  	_ =	shalt  }
0x7e: {  	_ =	shalt  }
0x7f: {  	_ =	shalt  }
0x80: {  	_ =	shalt  }
0x81: {  	_ =	shalt  }
0x82: {  	_ =	shalt  }
0x83: {  	_ =	shalt  }
0x84: {  	_ =	shalt  }
0x85: {  	_ =	shalt  }
0x86: {  	_ =	shalt  }
0x87: {  	_ =	shalt  }
.Lfunc_end0:
.L_simem_size_0:
called_computation_lowered:
.L_overlay_start_0:
0x88: {  	s2 =	sld [smem:$0x3FD9]  }
0x89: {  	s3 =	sld [smem:$0x3FFE];
	_ =	sdelay $0x1  }
0x8a: {  	s1 =	srdreg.scid  }
0x8b: {  	s0 =	sand.u32 $0x1, s1  }
0x8c: {  	s16 =	sshll.u32 s0, $0xA;
	s2 =	sadd.s32 s3, s2  }
0x8d: {  	s2 =	sadd.s32 s2, s16  }
0x8e: {  	[smem:$0x3FC5] =	sst s2  }
0x8f: {  	_ = 	snop  }
0x90: {  	(tm) =	ssettm $0x1  }
0x91: {  	s17 =	sld [smem:$0x3FFB];
	_ =	sdelay $0x3  }
0x92: {  	_ =	strace s17  }
0x93: {  	s2 =	sld [smem:$0x3FFC];
	_ =	sdelay $0x3  }
0x94: {  	_ =	strace s2  }
0x95: {  	s2 =	sld [smem:$0x3FFD];
	_ =	sdelay $0x3  }
0x96: {  	_ =	strace s2  }
0x97: {  	_ =	strace $0x8FFFFFFF  }
0x98: {  	s18 =	sld [smem:$0x3FDB];
	_ =	sdelay $0x1  }
0x99: {  	s19 =	simm.s32 $_scs_section_size  }
0x9a: {  	s4 =	simm.s32 $_size__tile_overlayer_lowered;
	s5 =	simm.s32 $_tile_overlayer_lowered  }
0x9b: {  	s22 =	simm.s32 $0x1BFF;
	s21 =	sshll.u32 s5, $0x1;
	s2 =	sadd.s32 s19, s18  }
0x9c: {  	s6 =	simm.s32 $0x0;
	s20 =	sshll.u32 s4, $0x1;
	s4 =	sadd.s32 s21, s2  }
0x9d: {  	[timem:s6], [sflag:s22] =	dma.local [hbm:s4], s20  }
0x9e: {  	_ =	swait.ge [sflag:s22], s20  }
0x9f: {  	s3 =	ssub.s32 $0x0, s20;
	[sflag:s22] =	ssyncset.done $0x0  }
0xa0: {  	[sflag:s22] =	ssyncadd.s32 s3;
	_ =	sdelay $0x1  }
0xa1: {  	s23 =	simm.s32 $0x1B8B  }
0xa2: {  	_ =	swait.ge [sflag:s23], $0x1  }
0xa3: {  	[sflag:s23] =	ssyncset.done $0x0  }
0xa4: {  	s25 =	simm.s32 $0x1B8E;
	s24 =	sld [smem:$0x3FFE];
	[sflag:s23] =	ssyncadd.s32 $0xFFFFFFFF  }
0xa5: {  	s26 =	simm.s32 $execute0_lowered;
	[smem:$0x3FD2] =	sst s25  }
0xa6: {  	s4 =	sshll.u32 s26, $0x1;
	_ =	strace $0x80000046;
	[dreg:$0x1] =	wrdreg $0xFFFFFFFF  }
0xa7: {  	s28 =	simm.s32 $_size_execute0_lowered;
	s2 =	sadd.s32 s2, s4;
	[dreg:$0x0] =	wrdreg $0x0  }
0xa8: {  	s4 =	sshll.u32 s28, $0x1;
	[dreg:$0x2] =	wrdreg s2  }
0xa9: {  	[dreg:$0x3] =	wrdreg s4  }
0xaa: {  	[dreg:$0x4] =	wrdreg $0xC0  }
0xab: {  	_ =	task [dreg:s6], $0x5FFFF  }
0xac: {  	[dreg:$0x1] =	wrdreg $0xFFFFFFFF  }
0xad: {  	[dreg:$0x0] =	wrdreg $0x60  }
0xae: {  	[dreg:$0x2] =	wrdreg s24  }
0xaf: {  	[dreg:$0x3] =	wrdreg $0x9  }
0xb0: {  	_ =	task.clear_ibuf [dreg:s6], $0x4FFFF;
	_ =	strace $0x90000046  }
0xb1: {  	s29 =	simm.s32 $0x9;
	_ =	strace $0x80000048  }
0xb2: {  	_ =	swait.ge [sflag:s29], $0x1  }
0xb3: {  	[sflag:s29] =	ssyncadd.s32 $0xFFFFFFFF  }
0xb4: {  	_ =	strace $0x90000048  }
0xb5: {  	_ =	sfence  }
0xb6: {  	s30 =	sld [smem:$0x0];
	_ =	sdelay $0x2  }
0xb7: {  	s31 =	sshll.u32 s1, $0xD;
	s1 =	sshrl.u32 s1, $0x2  }
0xb8: {  	s3 =	sand.u32 $0x4000, s31;
	s1 =	sadd.s32 s1, s30  }
0xb9: {  	s0 =	sor.u32 s3, s0;
	s1 =	sshll.u32 s1, $0x11  }
0xba: {  	s0 =	sor.u32 s1, s0  }
0xbb: {  	s0 =	sadd.s32 $0x8F2B, s0  }
0xbc: {  	[sflag:s0] =	ssyncadd.remote.s32 $0x1  }
0xbd: {  	_ =	sfence.sel $0xFFFF  }
0xbe: {  	[dreg:$0x0] =	wrdreg $0xFFFFFFFF;
	(pc) =	sbr.abs _section_cstart, $3  }
0xbf: {  	[dreg:$0x1] =	wrdreg $0xFFFFFFFF  }
0xc0: {  	_ =	task.clear_ibuf [dreg:s6], $0x2FFFF;
	_ =	strace $0x9FFFFFFF  }
0xc1: {  	(tm) =	ssettm $0x7FFFFFFF  }
tec
execute0_lowered:
.L_overlay_start_1:
0x0: {  	(tag) =	ssettag $0x1  }
0x1: {  	s0 =	srdreg.scid  }
0x2: {  	s1 =	sshll.u32 s0, $0x4  }
0x3: {  	s0 =	stileid.u32;
	s1 =	sand.u32 $0x10, s1  }
0x4: {  	s2 =	sor.u32 s0, s1  }
0x5: {  	s1 =	smul.u32 $0x3, s2  }
0x6: {  	s3 =	smin.u32 s2, $0x18  }
0x7: {  	s1 =	sadd.s32 s3, s1  }
0x8: {  	p0 =	slt.u32 s2, $0x18;
	s2 =	simm.s32 $0x640;
	s1 =	smul.u32 $0x190, s1  }
0x9: {  	s2 =	simm.s32 @!p0 $0x4B0  }
0xa: {  	s2 =	sadd.s32 s2, s1  }
0xb: {  	s3 =	smin.u32 s2, $0xBB80  }
0xc: {  	s7 =	ssub.s32 s3, s1  }
0xd: {  	p0 =	sgt.s32 s7, $0x0  }
0xe: {  	s7 =	simm.s32 @!p0 $0x0  }
0xf: {  	s31 =	sand.u32 $0xFFF0, s7  }
0x10: {  	s2 =	sshrl.u32 s31, $0x4  }
0x11: {  	s2 =	smul.u32 $0xA3E, s2  }
0x12: {  	s4 =	rddreg [dreg:$0x0];
	s6 =	simm.s32 $0x1  }
0x13: {  	s10 =	simm.s32 $0x3;
	s13 =	simm.s32 $0x0;
	s8 =	sshrl.u32 s2, $0x10  }
0x14: {  	s12 =	simm.s32 $0x0;
	s5 =	sadd.s32 $0x1800, s4;
	s9 =	smul.u32 $0x190, s8  }
.Ltmp0:
0x15: {  	s11 =	smov.u32 s1;
	s2 =	rddreg [dreg:$0x1];
	(pc) =	sbr.rel .LBB2_1-.Ltmp0, $4  }
0x16: {  	_ =	strace $0x80000047;
	p0 =	sne.s32 s7, s9;
	s9 =	simm.s32 $0x1  }
0x17: {  	[sflag:s6] =	ssyncpa.u1 $0x0;
	s7 =	simm.s32 $0x2;
	s9 =	simm.s32 @!p0 $0x0  }
0x18: {  	[sflag:s7] =	ssyncpa.u1 $0x0;
	p0 =	por $0x0, $0x0;
	s8 =	sadd.s32 s8, s9  }
0x19: {  	vm0 =	vmmov $0xff;
	vm1 =	vcmask $0x3F20;
	s9 =	sadd.s32 $0x147000, s4;
	[sflag:s10] =	ssyncpa.u1 $0x0;
	s10 =	sadd.s32 $0x1, s8  }
.LBB2_6:
0x1a: {  	[hbm:s17] =	stream.linear.scatter [tilespmem:s14], [sflag:$0x3], $0x400, $0x38;
	[tilespmem:$0x19320] =	vst v63  }
.LBB2_7:
0x1b: {  	s13 =	sadd.s32 $0x190, s11  }
0x1c: {  	s15 =	smov.u32 s1;
	p2 =	slt.s32 s13, s3  }
0x1d: {  	s15 =	smov.u32 @p2 s13;
	p2 =	sne.s32 s12, s10  }
.Ltmp1:
0x1e: {  	p1 =	slt.u32 s12, $0x2;
	(pc) =	sbr.rel @!p2 .LBB2_8-.Ltmp1, $4  }
0x1f: {  	s14 =	simm.s32 @!p1 $0x3  }
0x20: {  	s16 =	sadd.s32 $0x1, s12;
	_ =	swait.ge @!p1 [sflag:s14], $0xC800  }
0x21: {  	p0 =	por !p0, !p0;
	s13 =	smov.u32 s11;
	[sflag:s14] =	ssyncset.done @!p1 $0x0  }
0x22: {  	s12 =	smov.u32 s16;
	s11 =	smov.u32 s15;
	[sflag:s14] =	ssyncadd.s32 @!p1 $0xFFFF3800  }
.LBB2_1:
0x23: {  	p1 =	sge.u32 s12, s8  }
0x24: {  	s14 =	sxor.u32 @!p1 $0xFFFFFFFF, s12  }
0x25: {  	s14 =	sand.u32 @!p1 $0x1, s14  }
0x26: {  	s14 =	smul.u32 @!p1 $0x640, s14  }
0x27: {  	s31 =	sadd.s32 $0xFFFFFFFF, s12;
	s15 =	sshrl.u32 @!p1 s11, $0x3  }
0x28: {  	s16 =	sand.u32 @!p1 $0x7, s11;
	s15 =	sadd.s32 @!p1 s4, s15;
	s14 =	sshrl.u32 @!p1 s14, $0x2  }
0x29: {  	[tilespmem:s14], [sflag:$0x2] =	stream.linear.gather @!p1 [hbm4b:s15+s16], $0x190, $0x38;
	[tilespmem:$0x19320] =	vst v63  }
0x2a: {  	p1 =	sge.u32 s31, s8  }
.Ltmp2:
0x2b: {  	_ = 	snop;
	(pc) =	sbr.rel @p1 .LBB2_7-.Ltmp2, $1  }
0x2c: {  	_ =	sdelay $0x3  }
0x2d: {  	s14 =	simm.s32 $0x1  }
0x2e: {  	s14 =	simm.s32 @!p0 $0x0  }
0x2f: {  	s15 =	smul.u32 $0x640, s14  }
0x30: {  	_ =	swait.ge [sflag:s7], $0x190  }
0x31: {  	[sflag:s7] =	ssyncset.done $0x0;
	s16 =	sshrl.u32 s15, $0x2  }
0x32: {  	[sflag:s7] =	ssyncadd.s32 $0xFFFFFE70;
	s15 =	sadd.s32 $0x0, s16  }
0x33: {  	v0 =	vld.msk [tilespmem:s15+$0x0 ss:$0x1], $0xffff;
	_ =	sdelay $0x4  }
0x34: {  	v1 =	vand.u32 $0x3, v0;
	v2 =	vshll.u32 v0, $0x5  }
0x35: {  	vm2 =	veq.s32 v0, $0x80000000;
	v0 =	vmul.u32 $0x288000, v1;
	v1 =	vand.u32 $0x3FFF80, v2  }
0x36: {  	v1 =	vsel vm2, $0xFFFFFF80, v1  }
0x37: {  	v0 =	vsel vm2, $0xFFD78000, v0;
	v2 =	vand.u32 $0xFFFFFC00, v1  }
0x38: {  	v1 =	vand.u32 $0x380, v1;
	v0 =	vadd.s32 v0, v2  }
0x39: {  	v0 =	vor.u32 v1, v0  }
0x3a: {  	v0 =	vshrl.u32 v0, $0x3  }
0x3b: {  	s14 =	smul.u32 $0x32000, s14;
	_ =	sdelay $0x1  }
0x3c: {  	s14 =	sshrl.u32 s14, $0x2  }
0x3d: {  	s14 =	sor.u32 $0x320, s14  }
0x3e: {  	[tilespmem:s14], [sflag:$0x1] =	stream.indirect_vreg.gather [hbm:s5], $0x80, v0, vm0, $0x38;
	[tilespmem:$0x19320] =	vst v63  }
0x3f: {  	s17 =	sadd.s32 $0x10, s16;
	s15 =	sadd.s32 $0x400, s14  }
0x40: {  	[tilespmem:s15], [sflag:$0x1] =	stream.indirect_vreg.gather [hbm:s5], $0x80, v0, vm1, $0x38;
	[tilespmem:$0x19320] =	vst v63  }
0x41: {  	s18 =	simm.s32 $0x80;
	v0 =	vld.msk [tilespmem:s17+$0x0 ss:$0x1], $0xffff;
	s17 =	smov.u32 s14  }
.LBB2_3:
0x42: {  	p1 =	sne.s32 s18, $0x600;
	_ =	sdelay $0x4  }
0x43: {  	v1 =	vand.u32 $0x3, v0;
	v2 =	vshll.u32 v0, $0x5  }
0x44: {  	vm2 =	veq.s32 v0, $0x80000000;
	v0 =	vmul.u32 $0x288000, v1;
	v1 =	vand.u32 $0x3FFF80, v2  }
0x45: {  	v1 =	vsel vm2, $0xFFFFFF80, v1  }
0x46: {  	v0 =	vsel vm2, $0xFFD78000, v0;
	v2 =	vand.u32 $0xFFFFFC00, v1  }
0x47: {  	v1 =	vand.u32 $0x380, v1;
	v0 =	vadd.s32 v0, v2  }
0x48: {  	v0 =	vor.u32 v1, v0  }
0x49: {  	v0 =	vshrl.u32 v0, $0x3;
	_ =	sdelay $0x3  }
.Ltmp3:
0x4a: {  	s19 =	sshra.s32 s18, $0x2;
	s17 =	sadd.s32 $0x800, s17;
	(pc) =	sbr.rel @p1 .LBB2_3-.Ltmp3, $4  }
0x4b: {  	[tilespmem:s17], [sflag:$0x1] =	stream.indirect_vreg.gather [hbm:s5], $0x80, v0, vm0, $0x38;
	[tilespmem:$0x19320] =	vst v63  }
0x4c: {  	s19 =	sadd.s32 s19, s16;
	s20 =	sadd.s32 $0x400, s17  }
0x4d: {  	[tilespmem:s20], [sflag:$0x1] =	stream.indirect_vreg.gather [hbm:s5], $0x80, v0, vm1, $0x38;
	[tilespmem:$0x19320] =	vst v63  }
0x4e: {  	s18 =	sadd.s32 $0x40, s18;
	v0 =	vld.msk [tilespmem:s19+$0x0 ss:$0x1], $0xffff  }
0x4f: {  	_ =	sdelay $0x3  }
0x50: {  	v1 =	vand.u32 $0x3, v0;
	v2 =	vshll.u32 v0, $0x5  }
0x51: {  	vm2 =	veq.s32 v0, $0x80000000;
	v61 =	vmul.u32 $0x288000, v1;
	v62 =	vand.u32 $0x3FFF80, v2  }
0x52: {  	v1 =	vsel vm2, $0xFFFFFF80, v62  }
0x53: {  	v0 =	vsel vm2, $0xFFD78000, v61;
	v63 =	vand.u32 $0xFFFFFC00, v1  }
0x54: {  	v1 =	vand.u32 $0x380, v1;
	v0 =	vadd.s32 v0, v63  }
0x55: {  	v0 =	vor.u32 v1, v0  }
0x56: {  	v0 =	vshrl.u32 v0, $0x3;
	_ =	sdelay $0x3  }
0x57: {  	s16 =	sadd.s32 $0x800, s17  }
0x58: {  	[tilespmem:s16], [sflag:$0x1] =	stream.indirect_vreg.gather [hbm:s5], $0x80, v0, vm0, $0x38;
	[tilespmem:$0x19320] =	vst v63  }
0x59: {  	s16 =	sadd.s32 $0x400, s16  }
0x5a: {  	[tilespmem:s16], [sflag:$0x1] =	stream.indirect_vreg.gather [hbm:s5], $0x80, v0, vm1, $0x38;
	[tilespmem:$0x19320] =	vst v63  }
0x5b: {  	s13 =	sshll.u32 s13, $0x4;
	_ =	swait.ge [sflag:s6], $0xC800  }
0x5c: {  	s13 =	sadd.s32 s13, s9;
	[sflag:s6] =	ssyncset.done $0x0  }
0x5d: {  	s17 =	sadd.s32 $0x0, s13;
	s16 =	simm.s32 $0x80;
	[sflag:s6] =	ssyncadd.s32 $0xFFFF3800  }
.LBB2_5:
0x5e: {  	[hbm:s17] =	stream.linear.scatter [tilespmem:s14], [sflag:$0x3], $0x400, $0x38;
	[tilespmem:$0x19320] =	vst v63  }
0x5f: {  	s17 =	smov.u32 s16;
	s14 =	smov.u32 s15;
	p1 =	sne.s32 s16, $0x1880  }
.Ltmp4:
0x60: {  	s16 =	sadd.s32 $0x80, s16;
	(pc) =	sbr.rel @p1 .LBB2_5-.Ltmp4, $2  }
0x61: {  	_ =	sdelay $0x2  }
0x62: {  	s15 =	sadd.s32 $0x400, s15;
	s17 =	sadd.s32 s17, s13  }
.Ltmp5:
0x63: {  	_ = 	snop;
	(pc) =	sbr.rel .LBB2_6-.Ltmp5, $1  }
0x64: {  	_ =	sdelay $0x3  }
.LBB2_8:
0x65: {  	_ =	sfence.sel $0x180000  }
0x66: {  	s1 =	simm.s32 $0x2;
	[bflag:$0x0] =	sbarrier.arrive $0xFFFF  }
0x67: {  	s30 =	simm.s32 $0x3;
	[sflag:s1] =	ssyncpa.u1 $0x1  }
0x68: {  	s31 =	simm.s32 $0x1;
	[sflag:s30] =	ssyncpa.u1 $0x1  }
0x69: {  	[sflag:s31] =	ssyncpa.u1 $0x1  }
0x6a: {  	p0 =	sne.s32 s0, $0x0;
	_ =	strace $0x90000047  }
0x6b: {  	s0 =	sadd.s32 @!p0 $0x100000, s2;
	[bflag:$0x2] =	sbarrier.arrive $0xFFFF  }
0x6c: {  	[sflag:s0] =	ssyncadd.tile.s32 @!p0 $0x1;
	_ =	shalt  }
.Lfunc_end2:
_tile_overlayer_lowered:
.L_overlay_start_2:
0x6d: {  	(tag) =	ssettag $0x2  }
0x6e: {  	s0 =	rddreg [dreg:$0x0];
	s2 =	stileid.u32  }
0x6f: {  	s1 =	rddreg [dreg:$0x1];
	p0 =	sne.s32 s2, $0x0  }
0x70: {  	s3 =	rddreg [dreg:$0x2];
	[bflag:$0x3] =	sbarrier.arrive $0xFFFF;
	s2 =	simm.s32 @!p0 $0x1C01  }
0x71: {  	[timem:s3], [sflag:s2] =	dma.local @!p0 [hbm:s0], s1  }
0x72: {  	s0 =	simm.s32 @!p0 $0x1  }
0x73: {  	_ =	swait.ge @!p0 [sflag:s0], s1  }
0x74: {  	s1 =	ssub.s32 @!p0 $0x0, s1;
	[sflag:s0] =	ssyncset.done @!p0 $0x0  }
0x75: {  	[sflag:s0] =	ssyncadd.s32 @!p0 s1  }
0x76: {  	[bflag:$0x3] =	sbarrier.arrive $0xFFFF  }
0x77: {  	_ =	shalt  }

</sc_bundles>
